<compile_context>
chip_gen: v7x
topology: tpu7x:2x2x1
jax: 0.10.2.dev20260603
libtpu: 0.0.44.dev20260713+nightly
codegen_flags: <defaults>
</compile_context>

<pallas_src>
import functools

import jax
import jax.numpy as jnp
from jax import lax
from jax.experimental import pallas as pl
from jax.experimental.pallas import tpu as pltpu
from jax.experimental.pallas import tpu_sc as plsc

NUM_CODES = 8192
CODE_DEPTH = 64
D_MODEL = 768
N_TOKENS = 8192

BLK_T = 256

_SC_CORES = 2
_SC_SUBCORES = 16
_NW = _SC_CORES * _SC_SUBCORES
_B_PER_W = N_TOKENS // _NW


def _tc_body(x_ref, w_ref, b_ref, cbt_ref, cbb_ref, xd_ref, idx_ref):
    x = x_ref[...]
    w = w_ref[...]
    dn_nt = (((1,), (1,)), ((), ()))
    xd = lax.dot_general(x.astype(jnp.bfloat16), w.astype(jnp.bfloat16),
                         dn_nt, preferred_element_type=jnp.float32)
    xd = xd + b_ref[...]
    norm = jnp.sqrt(jnp.sum(xd * xd, axis=1, keepdims=True))
    xd = xd / (norm + 1e-6)
    xd_ref[...] = xd

    cbt = cbt_ref[...]
    cbb = cbb_ref[...]
    dn_nn = (((1,), (0,)), ((), ()))
    s = lax.dot_general(xd.astype(jnp.bfloat16), cbb, dn_nn,
                        preferred_element_type=jnp.float32)
    a2 = jnp.sum(xd * xd, axis=1, keepdims=True)
    b2 = jnp.sum(cbt * cbt, axis=0, keepdims=True)
    d2 = jnp.maximum((a2 + b2) - 2.0 * s, 0.0)
    dd = jnp.sqrt(d2)
    col = lax.broadcasted_iota(jnp.int32, dd.shape, 1)
    dd = jnp.where(col == NUM_CODES - 1, jnp.inf, dd)
    SEG = 2048
    accv = jnp.full((dd.shape[0], 1), jnp.inf, jnp.float32)
    acci = jnp.zeros((dd.shape[0], 1), jnp.int32)
    for p in range(NUM_CODES // SEG):
        seg = dd[:, p * SEG:(p + 1) * SEG]
        cols = col[:, p * SEG:(p + 1) * SEG]
        mn = jnp.min(seg, axis=1, keepdims=True)
        ids = jnp.min(jnp.where(seg == mn, cols, NUM_CODES),
                      axis=1, keepdims=True)
        upd = (mn < accv) | ((mn == accv) & (ids < acci))
        accv = jnp.where(upd, mn.astype(jnp.bfloat16).astype(jnp.float32),
                         accv)
        acci = jnp.where(upd, ids, acci)
    idx_ref[...] = acci + 1


@functools.cache
def _make_sc_gather():
    mesh = plsc.VectorSubcoreMesh(
        core_axis_name="c", subcore_axis_name="s",
        num_cores=_SC_CORES, num_subcores=_SC_SUBCORES)

    @functools.partial(
        pl.kernel,
        out_type=jax.ShapeDtypeStruct((N_TOKENS, CODE_DEPTH), jnp.float32),
        mesh=mesh,
        scratch_types=[
            pltpu.VMEM((_B_PER_W,), jnp.int32),
            pltpu.VMEM((_B_PER_W, CODE_DEPTH), jnp.float32),
            pltpu.SemaphoreType.DMA,
        ],
        compiler_params=pltpu.CompilerParams(use_tc_tiling_on_sc=False),
    )
    def _sc_gather(cb_hbm, idx_hbm, out_hbm, idx_v, rows_v, sem):
        wid = lax.axis_index("s") * _SC_CORES + lax.axis_index("c")
        base = wid * _B_PER_W
        pltpu.sync_copy(idx_hbm.at[pl.ds(base, _B_PER_W)], idx_v)
        pltpu.async_copy(cb_hbm.at[idx_v], rows_v, sem).wait()
        pltpu.sync_copy(rows_v, out_hbm.at[pl.ds(base, _B_PER_W)])

    return _sc_gather


def kernel(x, W_down, b_down, codebook):
    cbs = jnp.concatenate(
        [codebook[1:], jnp.zeros((1, CODE_DEPTH), jnp.float32)], axis=0)
    cbt = cbs.T
    cbb = cbt.astype(jnp.bfloat16)
    b2d = b_down.reshape(1, CODE_DEPTH)
    xd, idx2 = pl.pallas_call(
        _tc_body,
        grid=(N_TOKENS // BLK_T,),
        in_specs=[
            pl.BlockSpec((BLK_T, D_MODEL), lambda i: (i, 0)),
            pl.BlockSpec((CODE_DEPTH, D_MODEL), lambda i: (0, 0)),
            pl.BlockSpec((1, CODE_DEPTH), lambda i: (0, 0)),
            pl.BlockSpec((CODE_DEPTH, NUM_CODES), lambda i: (0, 0)),
            pl.BlockSpec((CODE_DEPTH, NUM_CODES), lambda i: (0, 0)),
        ],
        out_specs=[
            pl.BlockSpec((BLK_T, CODE_DEPTH), lambda i: (i, 0)),
            pl.BlockSpec((BLK_T, 1), lambda i: (i, 0)),
        ],
        out_shape=[
            jax.ShapeDtypeStruct((N_TOKENS, CODE_DEPTH), jnp.float32),
            jax.ShapeDtypeStruct((N_TOKENS, 1), jnp.int32),
        ],
    )(x, W_down, b2d, cbt, cbb)
    code_indices = idx2.reshape(N_TOKENS)
    hard_codes = _make_sc_gather()(codebook, code_indices)
    return xd, code_indices, hard_codes

# --- scband reference (transcript-rebuilt; emitter-appended) ---
"""Pipeline reference for scband-quantizer-65420941853382 (READ-ONLY COPY).

The authoritative reference and input builder live on the scoring server;
editing this copy changes nothing except your own understanding.
"""

import jax, jax.numpy as jnp
import numpy as np

NUM_CODES = 8192
CODE_DEPTH = 64
D_MODEL = 768
N_TOKENS = 8192


def setup_inputs(seed: int = 0) -> dict:
    key = jax.random.key(seed)
    k1, k2, k3 = jax.random.split(key, 3)
    x = jax.random.normal(k1, (N_TOKENS, D_MODEL), dtype=jnp.float32)
    codebook = jax.random.normal(k2, (NUM_CODES, CODE_DEPTH), dtype=jnp.float32)
    codebook = codebook / jnp.linalg.norm(codebook, axis=-1, keepdims=True)
    codebook = codebook.at[:, 0].set(0.0)
    W_down = jax.random.normal(k3, (CODE_DEPTH, D_MODEL), dtype=jnp.float32) * (1.0 / np.sqrt(D_MODEL))
    b_down = jnp.zeros((CODE_DEPTH,), dtype=jnp.float32)
    return {"x": x, "W_down": W_down, "b_down": b_down, "codebook": codebook}


def _cdist(a, b):
    # euclidean distance matrix, matching torch.cdist(a, b)
    a2 = jnp.sum(a * a, axis=-1, keepdims=True)
    b2 = jnp.sum(b * b, axis=-1)
    d2 = a2 + b2[None, :] - 2.0 * (a @ b.T)
    return jnp.sqrt(jnp.clip(d2, 0.0, None))


def reference(x, W_down, b_down, codebook):
    # eval-mode forward (quantize=True, mask=None, self.training=False)
    # downsampler: Linear(d_model -> code_depth)
    xd = x @ W_down.T + b_down
    xd = xd / (jnp.linalg.norm(xd, axis=-1, keepdims=True) + 1e-06)
    # distances to codebook[1:] (index 0 reserved for padding)
    distances = _cdist(jax.lax.stop_gradient(xd), codebook[1:])
    code_indices = jnp.argmin(distances, axis=-1) + 1
    # lookup_codes: F.embedding(idx, codebook, padding_idx=0) -> plain gather
    hard_codes = jnp.take(codebook, code_indices, axis=0)
    # QuantizationInfo(soft_codes=xd, code_indices=idx, hard_codes=hard)
    return (xd, code_indices, hard_codes)

if __name__ == "__main__":
    import jax
    _d = setup_inputs()
    print(jax.jit(kernel)(*tuple(_d.values())))

</pallas_src>

<mosaic_0001>
#map = affine_map<(d0, d1) -> (0, 0)>
#map1 = affine_map<(d0, d1) -> (0)>
module attributes {stable_mosaic.version = 14 : i64} {
  func.func @_sc_gather(%arg0: i32, %arg1: i32, %arg2: memref<8192x64xf32, #tpu.memory_space<hbm>>, %arg3: memref<8192xi32, #tpu.memory_space<hbm>>, %arg4: memref<8192x64xf32, #tpu.memory_space<hbm>>, %arg5: memref<256xi32, #tpu.memory_space<vmem>>, %arg6: memref<256x64xf32, #tpu.memory_space<vmem>>, %arg7: memref<!tpu.dma_semaphore, #tpu.memory_space<semaphore_mem>>) attributes {dimension_semantics = [#tpu.dimension_semantics<core_parallel>, #tpu.dimension_semantics<subcore_parallel>], iteration_bounds = array<i64: 2, 16>, scalar_prefetch = 0 : i64, scratch_operands = 3 : i64, tpu.core_type = #tpu.core_type<sc_vector_subcore>, window_params = [{transform_indices = #map}, {transform_indices = #map1}, {transform_indices = #map}]} {
    %mul3A = arith.constant 2 : i32
    %mul3A_0 = arith.muli %arg1, %mul3A : i32
    %add3A = arith.addi %mul3A_0, %arg0 : i32
    %mul3A_1 = arith.constant 256 : i32
    %mul3A_2 = arith.muli %add3A, %mul3A_1 : i32
    "tpu.region"() ({
      %run_scoped3A = tpu.sem_alloc : memref<!tpu.dma_semaphore, #tpu.memory_space<semaphore_mem>>
      %dma_start3A_7 = tpu.memref_slice %arg3[%mul3A_2] : memref<8192xi32, #tpu.memory_space<hbm>> -> memref<256xi32, #tpu.memory_space<hbm>>
      %dma_start3A_8 = tpu.memref_slice %arg3[%mul3A_2] : memref<8192xi32, #tpu.memory_space<hbm>> -> memref<256xi32, #tpu.memory_space<hbm>>
      tpu.enqueue_dma source(%dma_start3A_8 : memref<256xi32, #tpu.memory_space<hbm>>) target(%arg5 : memref<256xi32, #tpu.memory_space<vmem>>) target_semaphore(%run_scoped3A : memref<!tpu.dma_semaphore, #tpu.memory_space<semaphore_mem>>)
      %dma_wait3A_9 = tpu.memref_slice %arg3[%mul3A_2] : memref<8192xi32, #tpu.memory_space<hbm>> -> memref<256xi32, #tpu.memory_space<hbm>>
      %dma_wait3A_10 = tpu.memref_slice %arg3[%mul3A_2] : memref<8192xi32, #tpu.memory_space<hbm>> -> memref<256xi32, #tpu.memory_space<hbm>>
      tpu.wait_dma2 semaphore(%run_scoped3A : memref<!tpu.dma_semaphore, #tpu.memory_space<semaphore_mem>>) src(%dma_wait3A_10 : memref<256xi32, #tpu.memory_space<hbm>>) dst(%arg5 : memref<256xi32, #tpu.memory_space<vmem>>)
      tpu.yield
    }) : () -> ()
    %dma_start3A = arith.constant 0 : i32
    %dma_start3A_3 = arith.constant 0 : i32
    %dma_start3A_4 = tpu.memref_slice %arg2[%dma_start3A, %dma_start3A_3] : memref<8192x64xf32, #tpu.memory_space<hbm>> -> memref<8192x64xf32, #tpu.memory_space<hbm>>
    tpu.enqueue_indirect_dma source(%dma_start3A_4 : memref<8192x64xf32, #tpu.memory_space<hbm>>) target(%arg6 : memref<256x64xf32, #tpu.memory_space<vmem>>) offsets(%arg5 : memref<256xi32, #tpu.memory_space<vmem>>) semaphore(%arg7 : memref<!tpu.dma_semaphore, #tpu.memory_space<semaphore_mem>>)
    %dma_wait3A = arith.constant 0 : i32
    %dma_wait3A_5 = arith.constant 0 : i32
    %dma_wait3A_6 = tpu.memref_slice %arg2[%dma_wait3A, %dma_wait3A_5] : memref<8192x64xf32, #tpu.memory_space<hbm>> -> memref<8192x64xf32, #tpu.memory_space<hbm>>
    tpu.wait_indirect_dma semaphore(%arg7 : memref<!tpu.dma_semaphore, #tpu.memory_space<semaphore_mem>>) src(%dma_wait3A_6 : memref<8192x64xf32, #tpu.memory_space<hbm>>) dst(%arg6 : memref<256x64xf32, #tpu.memory_space<vmem>>)
    "tpu.region"() ({
      %run_scoped3A = tpu.sem_alloc : memref<!tpu.dma_semaphore, #tpu.memory_space<semaphore_mem>>
      %dma_start3A_7 = arith.constant 0 : i32
      %dma_start3A_8 = tpu.memref_slice %arg4[%mul3A_2, %dma_start3A_7] : memref<8192x64xf32, #tpu.memory_space<hbm>> -> memref<256x64xf32, #tpu.memory_space<hbm>>
      %dma_start3A_9 = arith.constant 0 : i32
      %dma_start3A_10 = tpu.memref_slice %arg4[%mul3A_2, %dma_start3A_9] : memref<8192x64xf32, #tpu.memory_space<hbm>> -> memref<256x64xf32, #tpu.memory_space<hbm>>
      tpu.enqueue_dma source(%arg6 : memref<256x64xf32, #tpu.memory_space<vmem>>) target(%dma_start3A_10 : memref<256x64xf32, #tpu.memory_space<hbm>>) target_semaphore(%run_scoped3A : memref<!tpu.dma_semaphore, #tpu.memory_space<semaphore_mem>>)
      %dma_wait3A_11 = arith.constant 0 : i32
      %dma_wait3A_12 = tpu.memref_slice %arg4[%mul3A_2, %dma_wait3A_11] : memref<8192x64xf32, #tpu.memory_space<hbm>> -> memref<256x64xf32, #tpu.memory_space<hbm>>
      %dma_wait3A_13 = arith.constant 0 : i32
      %dma_wait3A_14 = tpu.memref_slice %arg4[%mul3A_2, %dma_wait3A_13] : memref<8192x64xf32, #tpu.memory_space<hbm>> -> memref<256x64xf32, #tpu.memory_space<hbm>>
      tpu.wait_dma2 semaphore(%run_scoped3A : memref<!tpu.dma_semaphore, #tpu.memory_space<semaphore_mem>>) src(%arg6 : memref<256x64xf32, #tpu.memory_space<vmem>>) dst(%dma_wait3A_14 : memref<256x64xf32, #tpu.memory_space<hbm>>)
      tpu.yield
    }) : () -> ()
    return
  }
}

module attributes {stable_mosaic.version = 14 : i64} {
  func.func @_tc_body(%arg0: i32, %arg1: memref<256x768xf32, #tpu.memory_space<vmem>>, %arg2: memref<64x768xf32, #tpu.memory_space<vmem>>, %arg3: memref<1x64xf32, #tpu.memory_space<vmem>>, %arg4: memref<64x8192xf32, #tpu.memory_space<vmem>>, %arg5: memref<64x8192xbf16, #tpu.memory_space<vmem>>, %arg6: memref<256x64xf32, #tpu.memory_space<vmem>>, %arg7: memref<256x1xi32, #tpu.memory_space<vmem>>) attributes {dimension_semantics = [#tpu.dimension_semantics<arbitrary>], iteration_bounds = array<i64: 32>, scalar_prefetch = 0 : i64, scratch_operands = 0 : i64, tpu.core_type = #tpu.core_type<tc>, window_params = [{transform_indices = @transform_0, window_bounds = array<i64: 256, 768>}, {pipeline_mode = #tpu.pipeline_mode<synchronous>, transform_indices = @transform_1, window_bounds = array<i64: 64, 768>}, {pipeline_mode = #tpu.pipeline_mode<synchronous>, transform_indices = @transform_2, window_bounds = array<i64: 1, 64>}, {pipeline_mode = #tpu.pipeline_mode<synchronous>, transform_indices = @transform_3, window_bounds = array<i64: 64, 8192>}, {pipeline_mode = #tpu.pipeline_mode<synchronous>, transform_indices = @transform_4, window_bounds = array<i64: 64, 8192>}, {transform_indices = @transform_5, window_bounds = array<i64: 256, 64>}, {transform_indices = @transform_6, window_bounds = array<i64: 256, 1>}]} {
    %get3A = arith.constant 0 : index
    %get3A_0 = arith.constant 0 : index
    %get3A_1 = vector.load %arg1[%get3A, %get3A_0] : memref<256x768xf32, #tpu.memory_space<vmem>>, vector<256x768xf32>
    %get3A_2 = arith.constant 0 : index
    %get3A_3 = arith.constant 0 : index
    %get3A_4 = vector.load %arg2[%get3A_2, %get3A_3] : memref<64x768xf32, #tpu.memory_space<vmem>>, vector<64x768xf32>
    %convert_element_type3A = arith.truncf %get3A_1 : vector<256x768xf32> to vector<256x768xbf16>
    %convert_element_type3A_5 = arith.truncf %get3A_4 : vector<64x768xf32> to vector<64x768xbf16>
    %dot_general3A = arith.constant dense<0.000000e+00> : vector<256x64xf32>
    %dot_general3A_6 = tpu.matmul %convert_element_type3A, %convert_element_type3A_5, %dot_general3A {dimension_numbers = #tpu.dot_dimension_numbers<[1], [1], [0], [0], [0, 0, 1, 0], [], []>, transpose_lhs_hint = false} : vector<256x768xbf16>, vector<64x768xbf16>, vector<256x64xf32> -> vector<256x64xf32>
    %get3A_7 = arith.constant 0 : index
    %get3A_8 = arith.constant 0 : index
    %get3A_9 = vector.load %arg3[%get3A_7, %get3A_8] : memref<1x64xf32, #tpu.memory_space<vmem>>, vector<1x64xf32>
    %add3A = vector.broadcast %get3A_9 : vector<1x64xf32> to vector<256x64xf32>
    %add3A_10 = arith.addf %dot_general3A_6, %add3A : vector<256x64xf32>
    %mul3A = arith.mulf %add3A_10, %add3A_10 : vector<256x64xf32>
    %reduce_sum3A = arith.constant dense<0.000000e+00> : vector<256xf32>
    %reduce_sum3A_11 = vector.multi_reduction <add>, %mul3A, %reduce_sum3A [1] : vector<256x64xf32> to vector<256xf32>
    %broadcast_in_dim3A = vector.shape_cast %reduce_sum3A_11 : vector<256xf32> to vector<256x1xf32>
    %sqrt3A = math.sqrt %broadcast_in_dim3A : vector<256x1xf32>
    %add3A_12 = arith.constant 9.99999997E-7 : f32
    %add3A_13 = vector.broadcast %add3A_12 : f32 to vector<256x1xf32>
    %add3A_14 = arith.addf %sqrt3A, %add3A_13 : vector<256x1xf32>
    %div3A = vector.broadcast %add3A_14 : vector<256x1xf32> to vector<256x64xf32>
    %div3A_15 = arith.divf %add3A_10, %div3A : vector<256x64xf32>
    %swap3A = arith.constant 0 : index
    %swap3A_16 = arith.constant 0 : index
    %swap3A_17 = vector.load %arg6[%swap3A, %swap3A_16] : memref<256x64xf32, #tpu.memory_space<vmem>>, vector<256x64xf32>
    tpu.vector_store %arg6[%swap3A, %swap3A_16], %div3A_15 {strides = array<i32>} : memref<256x64xf32, #tpu.memory_space<vmem>>, vector<256x64xf32>,
    %get3A_18 = arith.constant 0 : index
    %get3A_19 = arith.constant 0 : index
    %get3A_20 = vector.load %arg4[%get3A_18, %get3A_19] : memref<64x8192xf32, #tpu.memory_space<vmem>>, vector<64x8192xf32>
    %get3A_21 = arith.constant 0 : index
    %get3A_22 = arith.constant 0 : index
    %get3A_23 = vector.load %arg5[%get3A_21, %get3A_22] : memref<64x8192xbf16, #tpu.memory_space<vmem>>, vector<64x8192xbf16>
    %convert_element_type3A_24 = arith.truncf %div3A_15 : vector<256x64xf32> to vector<256x64xbf16>
    %dot_general3A_25 = arith.constant dense<0.000000e+00> : vector<256x8192xf32>
    %dot_general3A_26 = tpu.matmul %convert_element_type3A_24, %get3A_23, %dot_general3A_25 {dimension_numbers = #tpu.dot_dimension_numbers<[1], [0], [0], [1], [0, 0, 1, 1], [], []>, transpose_lhs_hint = false} : vector<256x64xbf16>, vector<64x8192xbf16>, vector<256x8192xf32> -> vector<256x8192xf32>
    %mul3A_27 = arith.mulf %div3A_15, %div3A_15 : vector<256x64xf32>
    %reduce_sum3A_28 = arith.constant dense<0.000000e+00> : vector<256xf32>
    %reduce_sum3A_29 = vector.multi_reduction <add>, %mul3A_27, %reduce_sum3A_28 [1] : vector<256x64xf32> to vector<256xf32>
    %broadcast_in_dim3A_30 = vector.shape_cast %reduce_sum3A_29 : vector<256xf32> to vector<256x1xf32>
    %mul3A_31 = arith.mulf %get3A_20, %get3A_20 : vector<64x8192xf32>
    %reduce_sum3A_32 = arith.constant dense<0.000000e+00> : vector<8192xf32>
    %reduce_sum3A_33 = vector.multi_reduction <add>, %mul3A_31, %reduce_sum3A_32 [0] : vector<64x8192xf32> to vector<8192xf32>
    %broadcast_in_dim3A_34 = vector.shape_cast %reduce_sum3A_33 : vector<8192xf32> to vector<1x8192xf32>
    %add3A_35 = vector.broadcast %broadcast_in_dim3A_30 : vector<256x1xf32> to vector<256x8192xf32>
    %add3A_36 = vector.broadcast %broadcast_in_dim3A_34 : vector<1x8192xf32> to vector<256x8192xf32>
    %add3A_37 = arith.addf %add3A_35, %add3A_36 : vector<256x8192xf32>
    %mul3A_38 = arith.constant 2.000000e+00 : f32
    %mul3A_39 = vector.broadcast %mul3A_38 : f32 to vector<256x8192xf32>
    %mul3A_40 = arith.mulf %mul3A_39, %dot_general3A_26 : vector<256x8192xf32>
    %sub3A = arith.subf %add3A_37, %mul3A_40 : vector<256x8192xf32>
    %max3A = arith.constant 0.000000e+00 : f32
    %max3A_41 = vector.broadcast %max3A : f32 to vector<256x8192xf32>
    %max3A_42 = arith.maximumf %sub3A, %max3A_41 : vector<256x8192xf32>
    %sqrt3A_43 = math.sqrt %max3A_42 : vector<256x8192xf32>
    %iota3A = tpu.iota {dimensions = array<i32: 1>} : vector<256x8192xi32>
    %eq3A = arith.constant 8191 : i32
    %eq3A_44 = vector.broadcast %eq3A : i32 to vector<256x8192xi32>
    %eq3A_45 = arith.cmpi eq, %iota3A, %eq3A_44 : vector<256x8192xi32>
    %jit3A = arith.constant 0x7F800000 : f32
    %broadcast_in_dim3A_46 = vector.broadcast %jit3A : f32 to vector<256x8192xf32>
    %select_n3A = arith.select %eq3A_45, %broadcast_in_dim3A_46, %sqrt3A_43 : vector<256x8192xi1>, vector<256x8192xf32>
    %broadcast_in_dim3A_47 = arith.constant 0x7F800000 : f32
    %broadcast_in_dim3A_48 = vector.broadcast %broadcast_in_dim3A_47 : f32 to vector<256x1xf32>
    %broadcast_in_dim3A_49 = arith.constant 0 : i32
    %broadcast_in_dim3A_50 = vector.broadcast %broadcast_in_dim3A_49 : i32 to vector<256x1xi32>
    %slice3A = vector.extract_strided_slice %select_n3A {offsets = [0, 0], sizes = [256, 2048], strides = [1, 1]} : vector<256x8192xf32> to vector<256x2048xf32>
    %slice3A_51 = vector.extract_strided_slice %iota3A {offsets = [0, 0], sizes = [256, 2048], strides = [1, 1]} : vector<256x8192xi32> to vector<256x2048xi32>
    %reduce_min3A = arith.constant dense<0x7F800000> : vector<256xf32>
    %reduce_min3A_52 = vector.multi_reduction <minimumf>, %slice3A, %reduce_min3A [1] : vector<256x2048xf32> to vector<256xf32>
    %broadcast_in_dim3A_53 = vector.shape_cast %reduce_min3A_52 : vector<256xf32> to vector<256x1xf32>
    %eq3A_54 = vector.broadcast %broadcast_in_dim3A_53 : vector<256x1xf32> to vector<256x2048xf32>
    %eq3A_55 = arith.cmpf oeq, %slice3A, %eq3A_54 : vector<256x2048xf32>
    %jit3A_56 = arith.constant 8192 : i32
    %broadcast_in_dim3A_57 = vector.broadcast %jit3A_56 : i32 to vector<256x2048xi32>
    %select_n3A_58 = arith.select %eq3A_55, %slice3A_51, %broadcast_in_dim3A_57 : vector<256x2048xi1>, vector<256x2048xi32>
    %reduce_min3A_59 = arith.constant dense<2147483647> : vector<256xi32>
    %reduce_min3A_60 = vector.multi_reduction <minsi>, %select_n3A_58, %reduce_min3A_59 [1] : vector<256x2048xi32> to vector<256xi32>
    %broadcast_in_dim3A_61 = vector.shape_cast %reduce_min3A_60 : vector<256xi32> to vector<256x1xi32>
    %lt3A = arith.cmpf olt, %broadcast_in_dim3A_53, %broadcast_in_dim3A_48 : vector<256x1xf32>
    %eq3A_62 = arith.cmpf oeq, %broadcast_in_dim3A_53, %broadcast_in_dim3A_48 : vector<256x1xf32>
    %lt3A_63 = arith.cmpi slt, %broadcast_in_dim3A_61, %broadcast_in_dim3A_50 : vector<256x1xi32>
    %and3A = arith.andi %eq3A_62, %lt3A_63 : vector<256x1xi1>
    %or3A = arith.ori %lt3A, %and3A : vector<256x1xi1>
    %convert_element_type3A_64 = arith.truncf %broadcast_in_dim3A_53 : vector<256x1xf32> to vector<256x1xbf16>
    %convert_element_type3A_65 = arith.extf %convert_element_type3A_64 : vector<256x1xbf16> to vector<256x1xf32>
    %select_n3A_66 = arith.select %or3A, %convert_element_type3A_65, %broadcast_in_dim3A_48 : vector<256x1xi1>, vector<256x1xf32>
    %select_n3A_67 = arith.select %or3A, %broadcast_in_dim3A_61, %broadcast_in_dim3A_50 : vector<256x1xi1>, vector<256x1xi32>
    %slice3A_68 = vector.extract_strided_slice %select_n3A {offsets = [0, 2048], sizes = [256, 2048], strides = [1, 1]} : vector<256x8192xf32> to vector<256x2048xf32>
    %slice3A_69 = vector.extract_strided_slice %iota3A {offsets = [0, 2048], sizes = [256, 2048], strides = [1, 1]} : vector<256x8192xi32> to vector<256x2048xi32>
    %reduce_min3A_70 = arith.constant dense<0x7F800000> : vector<256xf32>
    %reduce_min3A_71 = vector.multi_reduction <minimumf>, %slice3A_68, %reduce_min3A_70 [1] : vector<256x2048xf32> to vector<256xf32>
    %broadcast_in_dim3A_72 = vector.shape_cast %reduce_min3A_71 : vector<256xf32> to vector<256x1xf32>
    %eq3A_73 = vector.broadcast %broadcast_in_dim3A_72 : vector<256x1xf32> to vector<256x2048xf32>
    %eq3A_74 = arith.cmpf oeq, %slice3A_68, %eq3A_73 : vector<256x2048xf32>
    %jit3A_75 = arith.constant 8192 : i32
    %broadcast_in_dim3A_76 = vector.broadcast %jit3A_75 : i32 to vector<256x2048xi32>
    %select_n3A_77 = arith.select %eq3A_74, %slice3A_69, %broadcast_in_dim3A_76 : vector<256x2048xi1>, vector<256x2048xi32>
    %reduce_min3A_78 = arith.constant dense<2147483647> : vector<256xi32>
    %reduce_min3A_79 = vector.multi_reduction <minsi>, %select_n3A_77, %reduce_min3A_78 [1] : vector<256x2048xi32> to vector<256xi32>
    %broadcast_in_dim3A_80 = vector.shape_cast %reduce_min3A_79 : vector<256xi32> to vector<256x1xi32>
    %lt3A_81 = arith.cmpf olt, %broadcast_in_dim3A_72, %select_n3A_66 : vector<256x1xf32>
    %eq3A_82 = arith.cmpf oeq, %broadcast_in_dim3A_72, %select_n3A_66 : vector<256x1xf32>
    %lt3A_83 = arith.cmpi slt, %broadcast_in_dim3A_80, %select_n3A_67 : vector<256x1xi32>
    %and3A_84 = arith.andi %eq3A_82, %lt3A_83 : vector<256x1xi1>
    %or3A_85 = arith.ori %lt3A_81, %and3A_84 : vector<256x1xi1>
    %convert_element_type3A_86 = arith.truncf %broadcast_in_dim3A_72 : vector<256x1xf32> to vector<256x1xbf16>
    %convert_element_type3A_87 = arith.extf %convert_element_type3A_86 : vector<256x1xbf16> to vector<256x1xf32>
    %select_n3A_88 = arith.select %or3A_85, %convert_element_type3A_87, %select_n3A_66 : vector<256x1xi1>, vector<256x1xf32>
    %select_n3A_89 = arith.select %or3A_85, %broadcast_in_dim3A_80, %select_n3A_67 : vector<256x1xi1>, vector<256x1xi32>
    %slice3A_90 = vector.extract_strided_slice %select_n3A {offsets = [0, 4096], sizes = [256, 2048], strides = [1, 1]} : vector<256x8192xf32> to vector<256x2048xf32>
    %slice3A_91 = vector.extract_strided_slice %iota3A {offsets = [0, 4096], sizes = [256, 2048], strides = [1, 1]} : vector<256x8192xi32> to vector<256x2048xi32>
    %reduce_min3A_92 = arith.constant dense<0x7F800000> : vector<256xf32>
    %reduce_min3A_93 = vector.multi_reduction <minimumf>, %slice3A_90, %reduce_min3A_92 [1] : vector<256x2048xf32> to vector<256xf32>
    %broadcast_in_dim3A_94 = vector.shape_cast %reduce_min3A_93 : vector<256xf32> to vector<256x1xf32>
    %eq3A_95 = vector.broadcast %broadcast_in_dim3A_94 : vector<256x1xf32> to vector<256x2048xf32>
    %eq3A_96 = arith.cmpf oeq, %slice3A_90, %eq3A_95 : vector<256x2048xf32>
    %jit3A_97 = arith.constant 8192 : i32
    %broadcast_in_dim3A_98 = vector.broadcast %jit3A_97 : i32 to vector<256x2048xi32>
    %select_n3A_99 = arith.select %eq3A_96, %slice3A_91, %broadcast_in_dim3A_98 : vector<256x2048xi1>, vector<256x2048xi32>
    %reduce_min3A_100 = arith.constant dense<2147483647> : vector<256xi32>
    %reduce_min3A_101 = vector.multi_reduction <minsi>, %select_n3A_99, %reduce_min3A_100 [1] : vector<256x2048xi32> to vector<256xi32>
    %broadcast_in_dim3A_102 = vector.shape_cast %reduce_min3A_101 : vector<256xi32> to vector<256x1xi32>
    %lt3A_103 = arith.cmpf olt, %broadcast_in_dim3A_94, %select_n3A_88 : vector<256x1xf32>
    %eq3A_104 = arith.cmpf oeq, %broadcast_in_dim3A_94, %select_n3A_88 : vector<256x1xf32>
    %lt3A_105 = arith.cmpi slt, %broadcast_in_dim3A_102, %select_n3A_89 : vector<256x1xi32>
    %and3A_106 = arith.andi %eq3A_104, %lt3A_105 : vector<256x1xi1>
    %or3A_107 = arith.ori %lt3A_103, %and3A_106 : vector<256x1xi1>
    %convert_element_type3A_108 = arith.truncf %broadcast_in_dim3A_94 : vector<256x1xf32> to vector<256x1xbf16>
    %convert_element_type3A_109 = arith.extf %convert_element_type3A_108 : vector<256x1xbf16> to vector<256x1xf32>
    %select_n3A_110 = arith.select %or3A_107, %convert_element_type3A_109, %select_n3A_88 : vector<256x1xi1>, vector<256x1xf32>
    %select_n3A_111 = arith.select %or3A_107, %broadcast_in_dim3A_102, %select_n3A_89 : vector<256x1xi1>, vector<256x1xi32>
    %slice3A_112 = vector.extract_strided_slice %select_n3A {offsets = [0, 6144], sizes = [256, 2048], strides = [1, 1]} : vector<256x8192xf32> to vector<256x2048xf32>
    %slice3A_113 = vector.extract_strided_slice %iota3A {offsets = [0, 6144], sizes = [256, 2048], strides = [1, 1]} : vector<256x8192xi32> to vector<256x2048xi32>
    %reduce_min3A_114 = arith.constant dense<0x7F800000> : vector<256xf32>
    %reduce_min3A_115 = vector.multi_reduction <minimumf>, %slice3A_112, %reduce_min3A_114 [1] : vector<256x2048xf32> to vector<256xf32>
    %broadcast_in_dim3A_116 = vector.shape_cast %reduce_min3A_115 : vector<256xf32> to vector<256x1xf32>
    %eq3A_117 = vector.broadcast %broadcast_in_dim3A_116 : vector<256x1xf32> to vector<256x2048xf32>
    %eq3A_118 = arith.cmpf oeq, %slice3A_112, %eq3A_117 : vector<256x2048xf32>
    %jit3A_119 = arith.constant 8192 : i32
    %broadcast_in_dim3A_120 = vector.broadcast %jit3A_119 : i32 to vector<256x2048xi32>
    %select_n3A_121 = arith.select %eq3A_118, %slice3A_113, %broadcast_in_dim3A_120 : vector<256x2048xi1>, vector<256x2048xi32>
    %reduce_min3A_122 = arith.constant dense<2147483647> : vector<256xi32>
    %reduce_min3A_123 = vector.multi_reduction <minsi>, %select_n3A_121, %reduce_min3A_122 [1] : vector<256x2048xi32> to vector<256xi32>
    %broadcast_in_dim3A_124 = vector.shape_cast %reduce_min3A_123 : vector<256xi32> to vector<256x1xi32>
    %lt3A_125 = arith.cmpf olt, %broadcast_in_dim3A_116, %select_n3A_110 : vector<256x1xf32>
    %eq3A_126 = arith.cmpf oeq, %broadcast_in_dim3A_116, %select_n3A_110 : vector<256x1xf32>
    %lt3A_127 = arith.cmpi slt, %broadcast_in_dim3A_124, %select_n3A_111 : vector<256x1xi32>
    %and3A_128 = arith.andi %eq3A_126, %lt3A_127 : vector<256x1xi1>
    %or3A_129 = arith.ori %lt3A_125, %and3A_128 : vector<256x1xi1>
    %select_n3A_130 = arith.select %or3A_129, %broadcast_in_dim3A_124, %select_n3A_111 : vector<256x1xi1>, vector<256x1xi32>
    %add3A_131 = arith.constant 1 : i32
    %add3A_132 = vector.broadcast %add3A_131 : i32 to vector<256x1xi32>
    %add3A_133 = arith.addi %select_n3A_130, %add3A_132 : vector<256x1xi32>
    %swap3A_134 = arith.constant 0 : index
    %swap3A_135 = arith.constant 0 : index
    %swap3A_136 = vector.load %arg7[%swap3A_134, %swap3A_135] : memref<256x1xi32, #tpu.memory_space<vmem>>, vector<256x1xi32>
    tpu.vector_store %arg7[%swap3A_134, %swap3A_135], %add3A_133 {strides = array<i32>} : memref<256x1xi32, #tpu.memory_space<vmem>>, vector<256x1xi32>,
    return
  }
  func.func @transform_0(%arg0: i32) -> (i32, i32) {
    %c0_i32 = arith.constant 0 : i32
    %c0_i32_0 = arith.constant 0 : i32
    return %arg0, %c0_i32 : i32, i32
  }
  func.func @transform_1(%arg0: i32) -> (i32, i32) {
    %c0_i32 = arith.constant 0 : i32
    %c0_i32_0 = arith.constant 0 : i32
    %c0_i32_1 = arith.constant 0 : i32
    return %c0_i32, %c0_i32_0 : i32, i32
  }
  func.func @transform_2(%arg0: i32) -> (i32, i32) {
    %c0_i32 = arith.constant 0 : i32
    %c0_i32_0 = arith.constant 0 : i32
    %c0_i32_1 = arith.constant 0 : i32
    return %c0_i32, %c0_i32_0 : i32, i32
  }
  func.func @transform_3(%arg0: i32) -> (i32, i32) {
    %c0_i32 = arith.constant 0 : i32
    %c0_i32_0 = arith.constant 0 : i32
    %c0_i32_1 = arith.constant 0 : i32
    return %c0_i32, %c0_i32_0 : i32, i32
  }
  func.func @transform_4(%arg0: i32) -> (i32, i32) {
    %c0_i32 = arith.constant 0 : i32
    %c0_i32_0 = arith.constant 0 : i32
    %c0_i32_1 = arith.constant 0 : i32
    return %c0_i32, %c0_i32_0 : i32, i32
  }
  func.func @transform_5(%arg0: i32) -> (i32, i32) {
    %c0_i32 = arith.constant 0 : i32
    %c0_i32_0 = arith.constant 0 : i32
    return %arg0, %c0_i32 : i32, i32
  }
  func.func @transform_6(%arg0: i32) -> (i32, i32) {
    %c0_i32 = arith.constant 0 : i32
    %c0_i32_0 = arith.constant 0 : i32
    return %arg0, %c0_i32 : i32, i32
  }
}

</mosaic_0001>

<sc_bundles>
// kernel: kernel.4.cloned.1.call-start
scs
__scs_entry_jumppad:
0x0: {  	(pc) =	sbr.rel $0x88, $3  }
0x1: {  	(tag) =	ssettag $0x0;
	lr =	simm.s32 $0x1  }
0x2: {  	[smem:$0x3F9D] =	sst lr;
	_ =	strace $0xD0000000  }
0x3: {  	_ = 	snop  }
0x4: {  	_ = 	snop  }
0x5: {  	_ = 	snop  }
0x6: {  	_ = 	snop  }
0x7: {  	_ = 	snop  }
__scs_overlays_trampoline_lowered:
0x8: {  	[smem:$0x3FAC] =	sst s0  }
0x9: {  	[smem:$0x3FAD] =	sst s1  }
0xa: {  	[smem:$0x3FAE] =	sst s2  }
0xb: {  	[smem:$0x3FAF] =	sst s3  }
0xc: {  	[smem:$0x3FB0] =	sst s4  }
0xd: {  	[smem:$0x3FB1] =	sst s5  }
0xe: {  	[smem:$0x3FB2] =	sst s6  }
0xf: {  	[smem:$0x3FB3] =	sst s7  }
0x10: {  	[smem:$0x3FB4] =	sst s8  }
0x11: {  	[smem:$0x3FB5] =	sst s9;
	s0 =	simm.s32 @!p0 $0x0  }
0x12: {  	s1 =	sld [smem:$0x3F9B];
	s0 =	simm.s32 @p0 $0x1  }
0x13: {  	[smem:$0x3FB6] =	sst s0;
	s0 =	simm.s32 @!p1 $0x0  }
0x14: {  	s2 =	sld [smem:$0x3F9A];
	s0 =	simm.s32 @p1 $0x1  }
0x15: {  	[smem:$0x3FB7] =	sst s0;
	s0 =	simm.s32 @!p2 $0x0  }
0x16: {  	s3 =	sld [smem:$0x3FDB];
	s0 =	simm.s32 @p2 $0x1  }
0x17: {  	s4 =	simm.s32 $0x1BF5;
	[smem:$0x3FB9] =	sst s0  }
0x18: {  	s0 =	sld [smem:$0x3F9C];
	_ =	swait.ge [sflag:s4], $0x0  }
0x19: {  	s7 =	sld [smem:$0x3F9D]  }
0x1a: {  	s8 =	sadd.s32 $0xFFFFE003, lr  }
0x1b: {  	s9 =	sadd.s32 $0xFFFFFEF7, lr;
	s5 =	simm.s32 $0xFFFFFFFF;
	p2 =	slt.u32 s8, $0xFFFFF086  }
0x1c: {  	p1 =	slt.u32 s9, $0xF7A;
	s5 =	simm.s32 @!p2 $0x0  }
0x1d: {  	s5 =	simm.s32 @p1 $0x1;
	p0 =	seq.s32 s7, s2  }
0x1e: {  	s7 =	smul.u32 @!p0 $0xF7A, s2;
	p2 =	seq.s32 @!p0 s5, $0x0  }
0x1f: {  	s9 =	smul.u32 $0xF7A, s1;
	s8 =	simm.s32 @!p0 $0x1BF5;
	p2 =	por !p2, p0  }
0x20: {  	[sflag:s8] =	ssyncset.s32 @!p0 $0xFFFFF086;
	s6 =	sadd.s32 @!p0 s3, s7;
	s7 =	simm.s32 @!p0 $0x108  }
0x21: {  	s3 =	sadd.s32 s3, s9;
	s6 =	sadd.s32 @!p0 $0x88, s6;
	s7 =	simm.s32 @p2 $0x1082  }
0x22: {  	[simem:s7], [sflag:s8] =	dma.local @!p0 [hbm:s6], $0xF7A  }
0x23: {  	s9 =	sor.u32 $0xD0000000, s2;
	s6 =	simm.s32 $0x108;
	_ =	swait.ge @!p0 [sflag:s8], $0x0  }
0x24: {  	s3 =	sadd.s32 $0x88, s3;
	s6 =	simm.s32 @!p1 $0x1082;
	[sflag:s4] =	ssyncset.s32 $0xFFFFF086  }
0x25: {  	[simem:s6], [sflag:s4] =	dma.local [hbm:s3], $0xF7A  }
0x26: {  	[smem:$0x3F9D] =	sst s1;
	(tag) =	ssettag s2;
	_ =	strace s9  }
0x27: {  	s1 =	sld [smem:$0x3FAD]  }
0x28: {  	s2 =	sld [smem:$0x3FAE]  }
0x29: {  	s4 =	sld [smem:$0x3FB0]  }
0x2a: {  	p0 =	seq.s32 s5, $0x0;
	s5 =	sld [smem:$0x3FB1]  }
0x2b: {  	s6 =	sld [smem:$0x3FB2]  }
0x2c: {  	s7 =	sld [smem:$0x3FB3]  }
0x2d: {  	s3 =	simm.s32 $0x108;
	s8 =	sld [smem:$0x3FB4]  }
0x2e: {  	s3 =	simm.s32 @!p0 $0x1082;
	s9 =	sld [smem:$0x3FB5]  }
0x2f: {  	lr =	sadd.s32 s0, s3;
	s0 =	sld [smem:$0x3FAC]  }
0x30: {  	s3 =	sld [smem:$0x3FAF]  }
0x31: {  	[smem:$0x3FB8] =	sst s10  }
0x32: {  	s10 =	sld [smem:$0x3FB6];
	_ =	sdelay $0x3  }
0x33: {  	p0 =	seq.s32 s10, $0x1;
	s10 =	sld [smem:$0x3FB8];
	_ =	sdelay $0x3  }
0x34: {  	[smem:$0x3FB8] =	sst s10  }
0x35: {  	s10 =	sld [smem:$0x3FB7];
	_ =	sdelay $0x3  }
0x36: {  	p1 =	seq.s32 s10, $0x1;
	s10 =	sld [smem:$0x3FB8];
	_ =	sdelay $0x3  }
0x37: {  	[smem:$0x3FB8] =	sst s10  }
0x38: {  	s10 =	sld [smem:$0x3FB9]  }
0x39: {  	_ = 	snop;
	(pc) =	sbr.ind lr, $3  }
0x3a: {  	_ = 	snop  }
0x3b: {  	_ = 	snop  }
0x3c: {  	p2 =	seq.s32 s10, $0x1;
	s10 =	sld [smem:$0x3FB8]  }
0x3d: {  	_ =	shalt  }
0x3e: {  	_ =	shalt  }
0x3f: {  	_ =	shalt  }
0x40: {  	_ =	shalt  }
0x41: {  	_ =	shalt  }
0x42: {  	_ =	shalt  }
0x43: {  	_ =	shalt  }
0x44: {  	_ =	shalt  }
0x45: {  	_ =	shalt  }
0x46: {  	_ =	shalt  }
0x47: {  	_ =	shalt  }
0x48: {  	_ =	shalt  }
0x49: {  	_ =	shalt  }
0x4a: {  	_ =	shalt  }
0x4b: {  	_ =	shalt  }
0x4c: {  	_ =	shalt  }
0x4d: {  	_ =	shalt  }
0x4e: {  	_ =	shalt  }
0x4f: {  	_ =	shalt  }
0x50: {  	_ =	shalt  }
0x51: {  	_ =	shalt  }
0x52: {  	_ =	shalt  }
0x53: {  	_ =	shalt  }
0x54: {  	_ =	shalt  }
0x55: {  	_ =	shalt  }
0x56: {  	_ =	shalt  }
0x57: {  	_ =	shalt  }
0x58: {  	_ =	shalt  }
0x59: {  	_ =	shalt  }
0x5a: {  	_ =	shalt  }
0x5b: {  	_ =	shalt  }
0x5c: {  	_ =	shalt  }
0x5d: {  	_ =	shalt  }
0x5e: {  	_ =	shalt  }
0x5f: {  	_ =	shalt  }
0x60: {  	_ =	shalt  }
0x61: {  	_ =	shalt  }
0x62: {  	_ =	shalt  }
0x63: {  	_ =	shalt  }
0x64: {  	_ =	shalt  }
0x65: {  	_ =	shalt  }
0x66: {  	_ =	shalt  }
0x67: {  	_ =	shalt  }
0x68: {  	_ =	shalt  }
0x69: {  	_ =	shalt  }
0x6a: {  	_ =	shalt  }
0x6b: {  	_ =	shalt  }
0x6c: {  	_ =	shalt  }
0x6d: {  	_ =	shalt  }
0x6e: {  	_ =	shalt  }
0x6f: {  	_ =	shalt  }
0x70: {  	_ =	shalt  }
0x71: {  	_ =	shalt  }
0x72: {  	_ =	shalt  }
0x73: {  	_ =	shalt  }
0x74: {  	_ =	shalt  }
0x75: {  	_ =	shalt  }
0x76: {  	_ =	shalt  }
0x77: {  	_ =	shalt  }
0x78: {  	_ =	shalt  }
0x79: {  	_ =	shalt  }
0x7a: {  	_ =	shalt  }
0x7b: {  	_ =	shalt  }
0x7c: {  	_ =	shalt  }
0x7d: {  	_ =	shalt  }
0x7e: {  	_ =	shalt  }
0x7f: {  	_ =	shalt  }
0x80: {  	_ =	shalt  }
0x81: {  	_ =	shalt  }
0x82: {  	_ =	shalt  }
0x83: {  	_ =	shalt  }
0x84: {  	_ =	shalt  }
0x85: {  	_ =	shalt  }
0x86: {  	_ =	shalt  }
0x87: {  	_ =	shalt  }
.Lfunc_end0:
.L_simem_size_0:
called_computation_lowered:
.L_overlay_start_0:
0x88: {  	s2 =	sld [smem:$0x3FD9]  }
0x89: {  	s3 =	sld [smem:$0x3FFE];
	_ =	sdelay $0x1  }
0x8a: {  	s1 =	srdreg.scid  }
0x8b: {  	s0 =	sand.u32 $0x1, s1  }
0x8c: {  	s14 =	sshll.u32 s0, $0xA;
	s2 =	sadd.s32 s3, s2  }
0x8d: {  	s2 =	sadd.s32 s2, s14  }
0x8e: {  	[smem:$0x3FC4] =	sst s2  }
0x8f: {  	_ = 	snop  }
0x90: {  	s2 =	sld [smem:$0x3FD0];
	_ =	sdelay $0x2  }
0x91: {  	s15 =	simm.s32 $0xA;
	s4 =	simm.s32 $0x10  }
0x92: {  	[smem:s4], [sflag:s15] =	dma.local [hbm:s2], $0x1  }
0x93: {  	_ =	swait.eq [sflag:s15], $0x1  }
0x94: {  	[sflag:s15] =	ssyncset.done $0x0  }
0x95: {  	s16 =	sld [smem:$0x11];
	[sflag:s15] =	ssyncadd.s32 $0xFFFFFFFF  }
0x96: {  	s17 =	sld [smem:$0x12];
	(tm) =	ssettm $0x1  }
0x97: {  	s18 =	sld [smem:$0x3FFB];
	_ =	sdelay $0x3  }
0x98: {  	_ =	strace s18  }
0x99: {  	s4 =	sld [smem:$0x3FFC];
	_ =	sdelay $0x3  }
0x9a: {  	_ =	strace s4  }
0x9b: {  	s4 =	sld [smem:$0x3FFD];
	_ =	sdelay $0x3  }
0x9c: {  	_ =	strace s4  }
0x9d: {  	_ =	strace $0x8FFFFFFF  }
0x9e: {  	s19 =	sld [smem:$0x3FDB];
	_ =	sdelay $0x1  }
0x9f: {  	s5 =	simm.s32 $_scs_section_size  }
0xa0: {  	s6 =	simm.s32 $_size__tile_overlayer_lowered;
	s7 =	simm.s32 $_tile_overlayer_lowered  }
0xa1: {  	s22 =	simm.s32 $0x1BFF;
	s21 =	sshll.u32 s7, $0x1;
	s4 =	sadd.s32 s5, s19  }
0xa2: {  	s8 =	simm.s32 $0x0;
	s20 =	sshll.u32 s6, $0x1;
	s6 =	sadd.s32 s21, s4  }
0xa3: {  	[timem:s8], [sflag:s22] =	dma.local [hbm:s6], s20  }
0xa4: {  	_ =	swait.ge [sflag:s22], s20  }
0xa5: {  	s5 =	ssub.s32 $0x0, s20;
	[sflag:s22] =	ssyncset.done $0x0  }
0xa6: {  	[sflag:s22] =	ssyncadd.s32 s5;
	_ =	sdelay $0x1  }
0xa7: {  	s23 =	simm.s32 $0x1B8B  }
0xa8: {  	_ =	swait.ge [sflag:s23], $0x1  }
0xa9: {  	[sflag:s23] =	ssyncset.done $0x0  }
0xaa: {  	s25 =	simm.s32 $0x1B8E;
	s24 =	sld [smem:$0x3FFE];
	[sflag:s23] =	ssyncadd.s32 $0xFFFFFFFF  }
0xab: {  	s26 =	simm.s32 $execute0_lowered;
	[smem:$0x3FD2] =	sst s25  }
0xac: {  	s6 =	sshll.u32 s26, $0x1;
	_ =	strace $0x80000046;
	[dreg:$0x1] =	wrdreg $0xFFFFFFFF  }
0xad: {  	s28 =	simm.s32 $_size_execute0_lowered;
	s4 =	sadd.s32 s4, s6;
	[dreg:$0x0] =	wrdreg $0x0  }
0xae: {  	s6 =	sshll.u32 s28, $0x1;
	[dreg:$0x2] =	wrdreg s4  }
0xaf: {  	[dreg:$0x3] =	wrdreg s6  }
0xb0: {  	[dreg:$0x4] =	wrdreg $0xC0  }
0xb1: {  	_ =	task [dreg:s8], $0x5FFFF  }
0xb2: {  	[dreg:$0x1] =	wrdreg $0xFFFFFFFF  }
0xb3: {  	[dreg:$0x0] =	wrdreg $0x60  }
0xb4: {  	[dreg:$0x2] =	wrdreg s17  }
0xb5: {  	[dreg:$0x3] =	wrdreg s16  }
0xb6: {  	[dreg:$0x4] =	wrdreg s24  }
0xb7: {  	[dreg:$0x5] =	wrdreg $0x9  }
0xb8: {  	_ =	task.clear_ibuf [dreg:s8], $0x6FFFF;
	_ =	strace $0x90000046  }
0xb9: {  	s29 =	simm.s32 $0x9;
	_ =	strace $0x80000048  }
0xba: {  	_ =	swait.ge [sflag:s29], $0x1  }
0xbb: {  	[sflag:s29] =	ssyncadd.s32 $0xFFFFFFFF  }
0xbc: {  	_ =	strace $0x90000048  }
0xbd: {  	_ =	sfence  }
0xbe: {  	s30 =	sld [smem:$0x0];
	_ =	sdelay $0x2  }
0xbf: {  	s31 =	sshll.u32 s1, $0xD;
	s1 =	sshrl.u32 s1, $0x2  }
0xc0: {  	s3 =	sand.u32 $0x4000, s31;
	s1 =	sadd.s32 s1, s30  }
0xc1: {  	s0 =	sor.u32 s3, s0;
	s1 =	sshll.u32 s1, $0x11  }
0xc2: {  	s0 =	sor.u32 s1, s0  }
0xc3: {  	s0 =	sadd.s32 $0x8F2B, s0  }
0xc4: {  	[sflag:s0] =	ssyncadd.remote.s32 $0x1  }
0xc5: {  	_ =	sfence.sel $0xFFFF  }
0xc6: {  	[dreg:$0x0] =	wrdreg $0xFFFFFFFF;
	(pc) =	sbr.abs _section_cstart, $3  }
0xc7: {  	[dreg:$0x1] =	wrdreg $0xFFFFFFFF  }
0xc8: {  	_ =	task.clear_ibuf [dreg:s8], $0x2FFFF;
	_ =	strace $0x9FFFFFFF  }
0xc9: {  	(tm) =	ssettm $0x7FFFFFFF  }
tec
execute0_lowered:
.L_overlay_start_1:
0x0: {  	(tag) =	ssettag $0x1  }
0x1: {  	s1 =	rddreg [dreg:$0x0];
	s2 =	srdreg.scid  }
0x2: {  	s4 =	rddreg [dreg:$0x1];
	s0 =	stileid.u32  }
0x3: {  	s8 =	rddreg [dreg:$0x2];
	s3 =	simm.s32 $0x0;
	s6 =	sand.u32 $0x1, s2  }
0x4: {  	s5 =	sshll.u32 s0, $0x9;
	s2 =	rddreg [dreg:$0x3];
	s7 =	sshll.u32 s6, $0x8  }
0x5: {  	[smem:$0x7FF] =	sst s3;
	s9 =	sor.u32 s7, s5  }
0x6: {  	_ =	strace $0x80000047;
	s10 =	ssub.s32 $0x2, s6;
	s5 =	sshrl.u32 s9, $0x3  }
0x7: {  	s6 =	simm.s32 $0x100;
	s5 =	sadd.s32 s4, s5;
	s4 =	simm.s32 $0x2  }
0x8: {  	[tilespmem:s3], [sflag:$0x2] =	stream.linear.gather [hbm4b:s5+s3], $0x100, $0x38;
	[tilespmem:$0x4100] =	vst v63  }
0x9: {  	s7 =	simm.s32 $0x1;
	s11 =	sshrl.u32 s10, $0x1;
	_ =	swait.ge [sflag:s4], $0x100  }
0xa: {  	s9 =	sshll.u32 s9, $0x3;
	s31 =	ssub.s32 s10, s11;
	[sflag:s4] =	ssyncset.done $0x0  }
0xb: {  	s8 =	sadd.s32 s9, s8;
	s9 =	smax.u32 s31, $0x1;
	[sflag:s4] =	ssyncadd.s32 $0xFFFFFF00  }
0xc: {  	[tilespmem:s6], [sflag:$0x1] =	stream.indirect.gather [hbm4b:s1+s6], $0x40, s3, s6, $0xb8;
	[tilespmem:$0x4100] =	vst v63  }
0xd: {  	p0 =	sne.s32 s9, $0x1;
	_ =	swait.ge [sflag:s7], $0x4000  }
.Ltmp0:
0xe: {  	[sflag:s7] =	ssyncset.done $0x0;
	(pc) =	sbr.rel @!p0 .LBB2_2-.Ltmp0, $4  }
0xf: {  	s8 =	sadd.s32 $0x800, s8;
	[sflag:s7] =	ssyncadd.s32 $0xFFFFC000  }
0x10: {  	[hbm4b:s8+s3] =	stream.linear.scatter [tilespmem:s6], [sflag:$0x2], $0x4000, $0x38;
	[tilespmem:$0x4100] =	vst v63  }
0x11: {  	_ =	swait.ge [sflag:s4], $0x4000  }
0x12: {  	s9 =	sadd.s32 $0xFFFFFFFF, s9;
	[sflag:s4] =	ssyncset.done $0x0  }
.LBB2_1:
0x13: {  	p0 =	sne.s32 s9, $0x1;
	s9 =	sadd.s32 $0xFFFFFFFF, s9;
	[sflag:s4] =	ssyncadd.s32 $0xFFFFC000  }
0x14: {  	[tilespmem:s3], [sflag:$0x2] =	stream.linear.gather [hbm4b:s5+s3], $0x100, $0x38;
	[tilespmem:$0x4100] =	vst v63  }
0x15: {  	_ =	swait.ge [sflag:s4], $0x100  }
0x16: {  	[sflag:s4] =	ssyncset.done $0x0  }
0x17: {  	[sflag:s4] =	ssyncadd.s32 $0xFFFFFF00  }
0x18: {  	[tilespmem:s6], [sflag:$0x1] =	stream.indirect.gather [hbm4b:s1+s6], $0x40, s3, s6, $0xb8;
	[tilespmem:$0x4100] =	vst v63  }
0x19: {  	_ =	swait.ge [sflag:s7], $0x4000  }
.Ltmp1:
0x1a: {  	[sflag:s7] =	ssyncset.done $0x0;
	(pc) =	sbr.rel @p0 .LBB2_1-.Ltmp1, $4  }
0x1b: {  	[sflag:s7] =	ssyncadd.s32 $0xFFFFC000  }
0x1c: {  	[hbm4b:s8+s3] =	stream.linear.scatter [tilespmem:s6], [sflag:$0x2], $0x4000, $0x38;
	[tilespmem:$0x4100] =	vst v63  }
0x1d: {  	_ =	swait.ge [sflag:s4], $0x4000  }
0x1e: {  	[sflag:s4] =	ssyncset.done $0x0  }
.LBB2_2:
0x1f: {  	[sflag:s4] =	ssyncadd.s32 $0xFFFFC000  }
0x20: {  	_ =	sfence.sel $0x180000  }
0x21: {  	[bflag:$0x0] =	sbarrier.arrive $0xFFFF  }
0x22: {  	p0 =	sne.s32 s0, $0x0;
	_ =	strace $0x90000047  }
0x23: {  	s0 =	sadd.s32 @!p0 $0x100000, s2;
	[bflag:$0x2] =	sbarrier.arrive $0xFFFF  }
0x24: {  	[sflag:s0] =	ssyncadd.tile.s32 @!p0 $0x1;
	_ =	shalt  }
.Lfunc_end2:
_tile_overlayer_lowered:
.L_overlay_start_2:
0x25: {  	(tag) =	ssettag $0x2  }
0x26: {  	s0 =	rddreg [dreg:$0x0];
	s2 =	stileid.u32  }
0x27: {  	s1 =	rddreg [dreg:$0x1];
	p0 =	sne.s32 s2, $0x0  }
0x28: {  	s3 =	rddreg [dreg:$0x2];
	[bflag:$0x3] =	sbarrier.arrive $0xFFFF;
	s2 =	simm.s32 @!p0 $0x1C02  }
0x29: {  	[timem:s3], [sflag:s2] =	dma.local @!p0 [hbm:s0], s1  }
0x2a: {  	s0 =	simm.s32 @!p0 $0x2  }
0x2b: {  	_ =	swait.ge @!p0 [sflag:s0], s1  }
0x2c: {  	s1 =	ssub.s32 @!p0 $0x0, s1;
	[sflag:s0] =	ssyncset.done @!p0 $0x0  }
0x2d: {  	[sflag:s0] =	ssyncadd.s32 @!p0 s1  }
0x2e: {  	[bflag:$0x3] =	sbarrier.arrive $0xFFFF  }
0x2f: {  	_ =	shalt  }

</sc_bundles>
